<compile_context>
chip_gen: v7x
topology: tpu7x:2x2x1
jax: 0.10.2.dev20260603
libtpu: 0.0.44.dev20260713+nightly
codegen_flags: <defaults>
</compile_context>

<pallas_src>
import jax
import jax.numpy as jnp
from jax import lax
from jax.experimental import pallas as pl
from jax.experimental.pallas import tpu as pltpu
from jax.experimental.pallas import tpu_sc as plsc

_NC = 2
_NS = 16
_L = 16

_DUMMY_SPAN = 8192
_ROUNDS = 3
_OCHUNKS = 2


def _history_sc(x, n_id, num_rows):
    B, D = x.shape
    TB = B // _NS
    OB = B // (_NC * _NS)
    OC = OB // _OCHUNKS

    def body(x_ref, nid_ref, out_ref,
             tbl, idx, jv, w, si, oidx, win, rows, lsem, osem, gsem0, gsem1):
        gsems = (gsem0, gsem1)
        c = lax.axis_index("c")
        s = lax.axis_index("s")
        tb = s * TB
        ob = (s * _NC + c) * OB

        ld_idx = pltpu.async_copy(nid_ref.at[pl.ds(tb, TB)], idx, lsem)
        ld_oidx = pltpu.async_copy(nid_ref.at[pl.ds(ob, OB)], oidx, osem)

        def mk_iota(k, carry):
            jv[pl.ds(k * _L, _L)] = tb + k * _L + lax.iota(jnp.int32, _L)
            return carry

        lax.fori_loop(0, TB // _L, mk_iota, 0)
        ld_idx.wait()

        pltpu.sync_copy(jv, tbl.at[idx])
        plsc.subcore_barrier()

        for _ in range(_ROUNDS):
            pltpu.sync_copy(tbl.at[idx], w)

            def step(k, carry):
                sl = pl.ds(k * _L, _L)
                jval = jv[sl]
                si[sl] = jnp.where(
                    jval > w[sl], idx[sl],
                    num_rows + (jval & (_DUMMY_SPAN - 1)))
                return carry

            lax.fori_loop(0, TB // _L, step, 0)
            pltpu.sync_copy(jv, tbl.at[si])
            plsc.subcore_barrier()

        ld_oidx.wait()
        pltpu.sync_copy(tbl.at[oidx], win)
        cps = []
        for k in range(_OCHUNKS):
            cps.append(pltpu.async_copy(
                x_ref.at[win.at[pl.ds(k * OC, OC)]],
                rows.at[pl.ds(k * OC, OC)], gsems[k]))
        for k in range(_OCHUNKS):
            cps[k].wait()
            pltpu.sync_copy(rows.at[pl.ds(k * OC, OC)],
                            out_ref.at[pl.ds(ob + k * OC, OC)])

    fn = pl.kernel(
        body,
        out_type=jax.ShapeDtypeStruct((B, D), x.dtype),
        mesh=plsc.VectorSubcoreMesh(core_axis_name="c", subcore_axis_name="s"),
        compiler_params=pltpu.CompilerParams(
            use_tc_tiling_on_sc=False, disable_bounds_checks=True),
        scratch_types=[
            pltpu.VMEM_SHARED((num_rows + _DUMMY_SPAN,), jnp.int32),
            pltpu.VMEM((TB,), jnp.int32),
            pltpu.VMEM((TB,), jnp.int32),
            pltpu.VMEM((TB,), jnp.int32),
            pltpu.VMEM((TB,), jnp.int32),
            pltpu.VMEM((OB,), jnp.int32),
            pltpu.VMEM((OB,), jnp.int32),
            pltpu.VMEM((OB, D), x.dtype),
            pltpu.SemaphoreType.DMA,
            pltpu.SemaphoreType.DMA,
            pltpu.SemaphoreType.DMA,
            pltpu.SemaphoreType.DMA,
        ],
    )
    return fn(x, n_id)


def kernel(mem, x, n_id):
    return _history_sc(x, n_id.astype(jnp.int32), mem.shape[0])

# --- scband reference (transcript-rebuilt; emitter-appended) ---
"""Pipeline reference for scband-history-86517821213584 (READ-ONLY COPY).

The authoritative reference and input builder live on the scoring server;
editing this copy changes nothing except your own understanding.
"""

import jax, jax.numpy as jnp
import numpy as np

NUM_EMBEDDINGS = 1000000
EMBEDDING_DIM = 64
BATCH = 16384

def setup_inputs(seed: int = 0) -> dict:
    key = jax.random.key(seed)
    k1, k2 = jax.random.split(key)
    # History.reset_parameters fills the embedding storage with zeros
    mem = jnp.zeros((NUM_EMBEDDINGS, EMBEDDING_DIM), dtype=jnp.float32)
    x = jax.random.normal(k1, (BATCH, EMBEDDING_DIM), dtype=jnp.float32)
    n_id = jax.random.randint(k2, (BATCH,), 0, NUM_EMBEDDINGS, dtype=jnp.int64 if jax.config.jax_enable_x64 else jnp.int32)
    return {"mem": mem, "x": x, "n_id": n_id}

def reference(mem, x, n_id):
    # push(x, n_id): scatter-overwrite rows of the historical embedding storage
    mem = mem.at[n_id].set(x)
    # pull(n_id): gather the (now updated) rows back
    out = jnp.take(mem, n_id, axis=0)
    return out

if __name__ == "__main__":
    import jax
    _d = setup_inputs()
    print(jax.jit(kernel)(*tuple(_d.values())))

</pallas_src>

<mosaic_0001>
#map = affine_map<(d0, d1) -> (0, 0)>
#map1 = affine_map<(d0, d1) -> (0)>
module attributes {stable_mosaic.version = 14 : i64} {
  func.func @body(%arg0: i32, %arg1: i32, %arg2: memref<16384x64xf32, #tpu.memory_space<hbm>>, %arg3: memref<16384xi32, #tpu.memory_space<hbm>>, %arg4: memref<16384x64xf32, #tpu.memory_space<hbm>>, %arg5: memref<1008192xi32, #tpu.memory_space<vmem_shared>>, %arg6: memref<1024xi32, #tpu.memory_space<vmem>>, %arg7: memref<1024xi32, #tpu.memory_space<vmem>>, %arg8: memref<1024xi32, #tpu.memory_space<vmem>>, %arg9: memref<1024xi32, #tpu.memory_space<vmem>>, %arg10: memref<512xi32, #tpu.memory_space<vmem>>, %arg11: memref<512xi32, #tpu.memory_space<vmem>>, %arg12: memref<512x64xf32, #tpu.memory_space<vmem>>, %arg13: memref<!tpu.dma_semaphore, #tpu.memory_space<semaphore_mem>>, %arg14: memref<!tpu.dma_semaphore, #tpu.memory_space<semaphore_mem>>, %arg15: memref<!tpu.dma_semaphore, #tpu.memory_space<semaphore_mem>>, %arg16: memref<!tpu.dma_semaphore, #tpu.memory_space<semaphore_mem>>) attributes {dimension_semantics = [#tpu.dimension_semantics<core_parallel>, #tpu.dimension_semantics<subcore_parallel>], iteration_bounds = array<i64: 2, 16>, scalar_prefetch = 0 : i64, scratch_operands = 12 : i64, tpu.core_type = #tpu.core_type<sc_vector_subcore>, window_params = [{transform_indices = #map}, {transform_indices = #map1}, {transform_indices = #map}]} {
    %mul3A = arith.constant 1024 : i32
    %mul3A_0 = arith.muli %arg1, %mul3A : i32
    %mul3A_1 = arith.constant 2 : i32
    %mul3A_2 = arith.muli %arg1, %mul3A_1 : i32
    %add3A = arith.addi %mul3A_2, %arg0 : i32
    %mul3A_3 = arith.constant 512 : i32
    %mul3A_4 = arith.muli %add3A, %mul3A_3 : i32
    %dma_start3A = tpu.memref_slice %arg3[%mul3A_0] : memref<16384xi32, #tpu.memory_space<hbm>> -> memref<1024xi32, #tpu.memory_space<hbm>>
    %dma_start3A_5 = tpu.memref_slice %arg3[%mul3A_0] : memref<16384xi32, #tpu.memory_space<hbm>> -> memref<1024xi32, #tpu.memory_space<hbm>>
    tpu.enqueue_dma source(%dma_start3A_5 : memref<1024xi32, #tpu.memory_space<hbm>>) target(%arg6 : memref<1024xi32, #tpu.memory_space<vmem>>) target_semaphore(%arg13 : memref<!tpu.dma_semaphore, #tpu.memory_space<semaphore_mem>>)
    %dma_start3A_6 = tpu.memref_slice %arg3[%mul3A_4] : memref<16384xi32, #tpu.memory_space<hbm>> -> memref<512xi32, #tpu.memory_space<hbm>>
    %dma_start3A_7 = tpu.memref_slice %arg3[%mul3A_4] : memref<16384xi32, #tpu.memory_space<hbm>> -> memref<512xi32, #tpu.memory_space<hbm>>
    tpu.enqueue_dma source(%dma_start3A_7 : memref<512xi32, #tpu.memory_space<hbm>>) target(%arg10 : memref<512xi32, #tpu.memory_space<vmem>>) target_semaphore(%arg14 : memref<!tpu.dma_semaphore, #tpu.memory_space<semaphore_mem>>)
    %scan3A = arith.constant 0 : i32
    %scan3A_8 = arith.constant 0 : i32
    %scan3A_9 = arith.constant 64 : i32
    %scan3A_10 = arith.addi %scan3A_8, %scan3A_9 : i32
    %scan3A_11 = arith.constant 1 : i32
    scf.for %scan3A_73 = %scan3A_8 to %scan3A_10 step %scan3A_11  : i32 {
      %mul3A_74 = arith.constant 16 : i32
      %mul3A_75 = arith.muli %scan3A_73, %mul3A_74 : i32
      %add3A_76 = arith.addi %mul3A_0, %mul3A_75 : i32
      %iota3A = tpu.iota {dimensions = array<i32: 0>} : vector<16xi32>
      %add3A_77 = vector.broadcast %add3A_76 : i32 to vector<16xi32>
      %add3A_78 = arith.addi %add3A_77, %iota3A : vector<16xi32>
      %mul3A_79 = arith.constant 16 : i32
      %mul3A_80 = arith.muli %scan3A_73, %mul3A_79 : i32
      %swap3A = arith.index_cast %mul3A_80 : i32 to index
      %swap3A_81 = tpu.vector_load %arg7[%swap3A] {strides = array<i32>} : memref<1024xi32, #tpu.memory_space<vmem>>, vector<16xi32>,
      %swap3A_82 = vector.shape_cast %swap3A_81 : vector<16xi32> to vector<16xi32>
      %swap3A_83 = vector.shape_cast %add3A_78 : vector<16xi32> to vector<16xi32>
      tpu.vector_store %arg7[%swap3A], %swap3A_83 {strides = array<i32>} : memref<1024xi32, #tpu.memory_space<vmem>>, vector<16xi32>,
    }
    %scan3A_12 = arith.constant 64 : i32
    %dma_wait3A = tpu.memref_slice %arg3[%mul3A_0] : memref<16384xi32, #tpu.memory_space<hbm>> -> memref<1024xi32, #tpu.memory_space<hbm>>
    %dma_wait3A_13 = tpu.memref_slice %arg3[%mul3A_0] : memref<16384xi32, #tpu.memory_space<hbm>> -> memref<1024xi32, #tpu.memory_space<hbm>>
    tpu.wait_dma2 semaphore(%arg13 : memref<!tpu.dma_semaphore, #tpu.memory_space<semaphore_mem>>) src(%dma_wait3A_13 : memref<1024xi32, #tpu.memory_space<hbm>>) dst(%arg6 : memref<1024xi32, #tpu.memory_space<vmem>>)
    "tpu.region"() ({
      %run_scoped3A = tpu.sem_alloc : memref<!tpu.dma_semaphore, #tpu.memory_space<semaphore_mem>>
      %dma_start3A_73 = arith.constant 0 : i32
      %dma_start3A_74 = tpu.memref_slice %arg5[%dma_start3A_73] : memref<1008192xi32, #tpu.memory_space<vmem_shared>> -> memref<1008192xi32, #tpu.memory_space<vmem_shared>>
      tpu.enqueue_indirect_dma source(%arg7 : memref<1024xi32, #tpu.memory_space<vmem>>) target(%dma_start3A_74 : memref<1008192xi32, #tpu.memory_space<vmem_shared>>) offsets(%arg6 : memref<1024xi32, #tpu.memory_space<vmem>>) semaphore(%run_scoped3A : memref<!tpu.dma_semaphore, #tpu.memory_space<semaphore_mem>>)
      %dma_wait3A_75 = arith.constant 0 : i32
      %dma_wait3A_76 = tpu.memref_slice %arg5[%dma_wait3A_75] : memref<1008192xi32, #tpu.memory_space<vmem_shared>> -> memref<1008192xi32, #tpu.memory_space<vmem_shared>>
      tpu.wait_indirect_dma semaphore(%run_scoped3A : memref<!tpu.dma_semaphore, #tpu.memory_space<semaphore_mem>>) src(%arg7 : memref<1024xi32, #tpu.memory_space<vmem>>) dst(%dma_wait3A_76 : memref<1008192xi32, #tpu.memory_space<vmem_shared>>)
      tpu.yield
    }) : () -> ()
    %barrier3A = arith.constant 0 : index
    tpu.barrier barrier_id(%barrier3A)
    "tpu.region"() ({
      %run_scoped3A = tpu.sem_alloc : memref<!tpu.dma_semaphore, #tpu.memory_space<semaphore_mem>>
      %dma_start3A_73 = arith.constant 0 : i32
      %dma_start3A_74 = tpu.memref_slice %arg5[%dma_start3A_73] : memref<1008192xi32, #tpu.memory_space<vmem_shared>> -> memref<1008192xi32, #tpu.memory_space<vmem_shared>>
      tpu.enqueue_indirect_dma source(%dma_start3A_74 : memref<1008192xi32, #tpu.memory_space<vmem_shared>>) target(%arg8 : memref<1024xi32, #tpu.memory_space<vmem>>) offsets(%arg6 : memref<1024xi32, #tpu.memory_space<vmem>>) semaphore(%run_scoped3A : memref<!tpu.dma_semaphore, #tpu.memory_space<semaphore_mem>>)
      %dma_wait3A_75 = arith.constant 0 : i32
      %dma_wait3A_76 = tpu.memref_slice %arg5[%dma_wait3A_75] : memref<1008192xi32, #tpu.memory_space<vmem_shared>> -> memref<1008192xi32, #tpu.memory_space<vmem_shared>>
      tpu.wait_indirect_dma semaphore(%run_scoped3A : memref<!tpu.dma_semaphore, #tpu.memory_space<semaphore_mem>>) src(%dma_wait3A_76 : memref<1008192xi32, #tpu.memory_space<vmem_shared>>) dst(%arg8 : memref<1024xi32, #tpu.memory_space<vmem>>)
      tpu.yield
    }) : () -> ()
    %scan3A_14 = arith.constant 0 : i32
    %scan3A_15 = arith.constant 0 : i32
    %scan3A_16 = arith.constant 64 : i32
    %scan3A_17 = arith.addi %scan3A_15, %scan3A_16 : i32
    %scan3A_18 = arith.constant 1 : i32
    scf.for %scan3A_73 = %scan3A_15 to %scan3A_17 step %scan3A_18  : i32 {
      %mul3A_74 = arith.constant 16 : i32
      %mul3A_75 = arith.muli %scan3A_73, %mul3A_74 : i32
      %get3A = arith.index_cast %mul3A_75 : i32 to index
      %get3A_76 = tpu.vector_load %arg7[%get3A] {strides = array<i32>} : memref<1024xi32, #tpu.memory_space<vmem>>, vector<16xi32>,
      %get3A_77 = vector.shape_cast %get3A_76 : vector<16xi32> to vector<16xi32>
      %get3A_78 = arith.index_cast %mul3A_75 : i32 to index
      %get3A_79 = tpu.vector_load %arg8[%get3A_78] {strides = array<i32>} : memref<1024xi32, #tpu.memory_space<vmem>>, vector<16xi32>,
      %get3A_80 = vector.shape_cast %get3A_79 : vector<16xi32> to vector<16xi32>
      %gt3A = arith.cmpi sgt, %get3A_77, %get3A_80 : vector<16xi32>
      %get3A_81 = arith.index_cast %mul3A_75 : i32 to index
      %get3A_82 = tpu.vector_load %arg6[%get3A_81] {strides = array<i32>} : memref<1024xi32, #tpu.memory_space<vmem>>, vector<16xi32>,
      %get3A_83 = vector.shape_cast %get3A_82 : vector<16xi32> to vector<16xi32>
      %and3A = arith.constant 8191 : i32
      %and3A_84 = vector.broadcast %and3A : i32 to vector<16xi32>
      %and3A_85 = arith.andi %get3A_77, %and3A_84 : vector<16xi32>
      %add3A_86 = arith.constant 1000000 : i32
      %add3A_87 = vector.broadcast %add3A_86 : i32 to vector<16xi32>
      %add3A_88 = arith.addi %add3A_87, %and3A_85 : vector<16xi32>
      %select_n3A = arith.select %gt3A, %get3A_83, %add3A_88 : vector<16xi1>, vector<16xi32>
      %swap3A = arith.index_cast %mul3A_75 : i32 to index
      %swap3A_89 = tpu.vector_load %arg9[%swap3A] {strides = array<i32>} : memref<1024xi32, #tpu.memory_space<vmem>>, vector<16xi32>,
      %swap3A_90 = vector.shape_cast %swap3A_89 : vector<16xi32> to vector<16xi32>
      %swap3A_91 = vector.shape_cast %select_n3A : vector<16xi32> to vector<16xi32>
      tpu.vector_store %arg9[%swap3A], %swap3A_91 {strides = array<i32>} : memref<1024xi32, #tpu.memory_space<vmem>>, vector<16xi32>,
    }
    %scan3A_19 = arith.constant 64 : i32
    "tpu.region"() ({
      %run_scoped3A = tpu.sem_alloc : memref<!tpu.dma_semaphore, #tpu.memory_space<semaphore_mem>>
      %dma_start3A_73 = arith.constant 0 : i32
      %dma_start3A_74 = tpu.memref_slice %arg5[%dma_start3A_73] : memref<1008192xi32, #tpu.memory_space<vmem_shared>> -> memref<1008192xi32, #tpu.memory_space<vmem_shared>>
      tpu.enqueue_indirect_dma source(%arg7 : memref<1024xi32, #tpu.memory_space<vmem>>) target(%dma_start3A_74 : memref<1008192xi32, #tpu.memory_space<vmem_shared>>) offsets(%arg9 : memref<1024xi32, #tpu.memory_space<vmem>>) semaphore(%run_scoped3A : memref<!tpu.dma_semaphore, #tpu.memory_space<semaphore_mem>>)
      %dma_wait3A_75 = arith.constant 0 : i32
      %dma_wait3A_76 = tpu.memref_slice %arg5[%dma_wait3A_75] : memref<1008192xi32, #tpu.memory_space<vmem_shared>> -> memref<1008192xi32, #tpu.memory_space<vmem_shared>>
      tpu.wait_indirect_dma semaphore(%run_scoped3A : memref<!tpu.dma_semaphore, #tpu.memory_space<semaphore_mem>>) src(%arg7 : memref<1024xi32, #tpu.memory_space<vmem>>) dst(%dma_wait3A_76 : memref<1008192xi32, #tpu.memory_space<vmem_shared>>)
      tpu.yield
    }) : () -> ()
    %barrier3A_20 = arith.constant 0 : index
    tpu.barrier barrier_id(%barrier3A_20)
    "tpu.region"() ({
      %run_scoped3A = tpu.sem_alloc : memref<!tpu.dma_semaphore, #tpu.memory_space<semaphore_mem>>
      %dma_start3A_73 = arith.constant 0 : i32
      %dma_start3A_74 = tpu.memref_slice %arg5[%dma_start3A_73] : memref<1008192xi32, #tpu.memory_space<vmem_shared>> -> memref<1008192xi32, #tpu.memory_space<vmem_shared>>
      tpu.enqueue_indirect_dma source(%dma_start3A_74 : memref<1008192xi32, #tpu.memory_space<vmem_shared>>) target(%arg8 : memref<1024xi32, #tpu.memory_space<vmem>>) offsets(%arg6 : memref<1024xi32, #tpu.memory_space<vmem>>) semaphore(%run_scoped3A : memref<!tpu.dma_semaphore, #tpu.memory_space<semaphore_mem>>)
      %dma_wait3A_75 = arith.constant 0 : i32
      %dma_wait3A_76 = tpu.memref_slice %arg5[%dma_wait3A_75] : memref<1008192xi32, #tpu.memory_space<vmem_shared>> -> memref<1008192xi32, #tpu.memory_space<vmem_shared>>
      tpu.wait_indirect_dma semaphore(%run_scoped3A : memref<!tpu.dma_semaphore, #tpu.memory_space<semaphore_mem>>) src(%dma_wait3A_76 : memref<1008192xi32, #tpu.memory_space<vmem_shared>>) dst(%arg8 : memref<1024xi32, #tpu.memory_space<vmem>>)
      tpu.yield
    }) : () -> ()
    %scan3A_21 = arith.constant 0 : i32
    %scan3A_22 = arith.constant 0 : i32
    %scan3A_23 = arith.constant 64 : i32
    %scan3A_24 = arith.addi %scan3A_22, %scan3A_23 : i32
    %scan3A_25 = arith.constant 1 : i32
    scf.for %scan3A_73 = %scan3A_22 to %scan3A_24 step %scan3A_25  : i32 {
      %mul3A_74 = arith.constant 16 : i32
      %mul3A_75 = arith.muli %scan3A_73, %mul3A_74 : i32
      %get3A = arith.index_cast %mul3A_75 : i32 to index
      %get3A_76 = tpu.vector_load %arg7[%get3A] {strides = array<i32>} : memref<1024xi32, #tpu.memory_space<vmem>>, vector<16xi32>,
      %get3A_77 = vector.shape_cast %get3A_76 : vector<16xi32> to vector<16xi32>
      %get3A_78 = arith.index_cast %mul3A_75 : i32 to index
      %get3A_79 = tpu.vector_load %arg8[%get3A_78] {strides = array<i32>} : memref<1024xi32, #tpu.memory_space<vmem>>, vector<16xi32>,
      %get3A_80 = vector.shape_cast %get3A_79 : vector<16xi32> to vector<16xi32>
      %gt3A = arith.cmpi sgt, %get3A_77, %get3A_80 : vector<16xi32>
      %get3A_81 = arith.index_cast %mul3A_75 : i32 to index
      %get3A_82 = tpu.vector_load %arg6[%get3A_81] {strides = array<i32>} : memref<1024xi32, #tpu.memory_space<vmem>>, vector<16xi32>,
      %get3A_83 = vector.shape_cast %get3A_82 : vector<16xi32> to vector<16xi32>
      %and3A = arith.constant 8191 : i32
      %and3A_84 = vector.broadcast %and3A : i32 to vector<16xi32>
      %and3A_85 = arith.andi %get3A_77, %and3A_84 : vector<16xi32>
      %add3A_86 = arith.constant 1000000 : i32
      %add3A_87 = vector.broadcast %add3A_86 : i32 to vector<16xi32>
      %add3A_88 = arith.addi %add3A_87, %and3A_85 : vector<16xi32>
      %select_n3A = arith.select %gt3A, %get3A_83, %add3A_88 : vector<16xi1>, vector<16xi32>
      %swap3A = arith.index_cast %mul3A_75 : i32 to index
      %swap3A_89 = tpu.vector_load %arg9[%swap3A] {strides = array<i32>} : memref<1024xi32, #tpu.memory_space<vmem>>, vector<16xi32>,
      %swap3A_90 = vector.shape_cast %swap3A_89 : vector<16xi32> to vector<16xi32>
      %swap3A_91 = vector.shape_cast %select_n3A : vector<16xi32> to vector<16xi32>
      tpu.vector_store %arg9[%swap3A], %swap3A_91 {strides = array<i32>} : memref<1024xi32, #tpu.memory_space<vmem>>, vector<16xi32>,
    }
    %scan3A_26 = arith.constant 64 : i32
    "tpu.region"() ({
      %run_scoped3A = tpu.sem_alloc : memref<!tpu.dma_semaphore, #tpu.memory_space<semaphore_mem>>
      %dma_start3A_73 = arith.constant 0 : i32
      %dma_start3A_74 = tpu.memref_slice %arg5[%dma_start3A_73] : memref<1008192xi32, #tpu.memory_space<vmem_shared>> -> memref<1008192xi32, #tpu.memory_space<vmem_shared>>
      tpu.enqueue_indirect_dma source(%arg7 : memref<1024xi32, #tpu.memory_space<vmem>>) target(%dma_start3A_74 : memref<1008192xi32, #tpu.memory_space<vmem_shared>>) offsets(%arg9 : memref<1024xi32, #tpu.memory_space<vmem>>) semaphore(%run_scoped3A : memref<!tpu.dma_semaphore, #tpu.memory_space<semaphore_mem>>)
      %dma_wait3A_75 = arith.constant 0 : i32
      %dma_wait3A_76 = tpu.memref_slice %arg5[%dma_wait3A_75] : memref<1008192xi32, #tpu.memory_space<vmem_shared>> -> memref<1008192xi32, #tpu.memory_space<vmem_shared>>
      tpu.wait_indirect_dma semaphore(%run_scoped3A : memref<!tpu.dma_semaphore, #tpu.memory_space<semaphore_mem>>) src(%arg7 : memref<1024xi32, #tpu.memory_space<vmem>>) dst(%dma_wait3A_76 : memref<1008192xi32, #tpu.memory_space<vmem_shared>>)
      tpu.yield
    }) : () -> ()
    %barrier3A_27 = arith.constant 0 : index
    tpu.barrier barrier_id(%barrier3A_27)
    "tpu.region"() ({
      %run_scoped3A = tpu.sem_alloc : memref<!tpu.dma_semaphore, #tpu.memory_space<semaphore_mem>>
      %dma_start3A_73 = arith.constant 0 : i32
      %dma_start3A_74 = tpu.memref_slice %arg5[%dma_start3A_73] : memref<1008192xi32, #tpu.memory_space<vmem_shared>> -> memref<1008192xi32, #tpu.memory_space<vmem_shared>>
      tpu.enqueue_indirect_dma source(%dma_start3A_74 : memref<1008192xi32, #tpu.memory_space<vmem_shared>>) target(%arg8 : memref<1024xi32, #tpu.memory_space<vmem>>) offsets(%arg6 : memref<1024xi32, #tpu.memory_space<vmem>>) semaphore(%run_scoped3A : memref<!tpu.dma_semaphore, #tpu.memory_space<semaphore_mem>>)
      %dma_wait3A_75 = arith.constant 0 : i32
      %dma_wait3A_76 = tpu.memref_slice %arg5[%dma_wait3A_75] : memref<1008192xi32, #tpu.memory_space<vmem_shared>> -> memref<1008192xi32, #tpu.memory_space<vmem_shared>>
      tpu.wait_indirect_dma semaphore(%run_scoped3A : memref<!tpu.dma_semaphore, #tpu.memory_space<semaphore_mem>>) src(%dma_wait3A_76 : memref<1008192xi32, #tpu.memory_space<vmem_shared>>) dst(%arg8 : memref<1024xi32, #tpu.memory_space<vmem>>)
      tpu.yield
    }) : () -> ()
    %scan3A_28 = arith.constant 0 : i32
    %scan3A_29 = arith.constant 0 : i32
    %scan3A_30 = arith.constant 64 : i32
    %scan3A_31 = arith.addi %scan3A_29, %scan3A_30 : i32
    %scan3A_32 = arith.constant 1 : i32
    scf.for %scan3A_73 = %scan3A_29 to %scan3A_31 step %scan3A_32  : i32 {
      %mul3A_74 = arith.constant 16 : i32
      %mul3A_75 = arith.muli %scan3A_73, %mul3A_74 : i32
      %get3A = arith.index_cast %mul3A_75 : i32 to index
      %get3A_76 = tpu.vector_load %arg7[%get3A] {strides = array<i32>} : memref<1024xi32, #tpu.memory_space<vmem>>, vector<16xi32>,
      %get3A_77 = vector.shape_cast %get3A_76 : vector<16xi32> to vector<16xi32>
      %get3A_78 = arith.index_cast %mul3A_75 : i32 to index
      %get3A_79 = tpu.vector_load %arg8[%get3A_78] {strides = array<i32>} : memref<1024xi32, #tpu.memory_space<vmem>>, vector<16xi32>,
      %get3A_80 = vector.shape_cast %get3A_79 : vector<16xi32> to vector<16xi32>
      %gt3A = arith.cmpi sgt, %get3A_77, %get3A_80 : vector<16xi32>
      %get3A_81 = arith.index_cast %mul3A_75 : i32 to index
      %get3A_82 = tpu.vector_load %arg6[%get3A_81] {strides = array<i32>} : memref<1024xi32, #tpu.memory_space<vmem>>, vector<16xi32>,
      %get3A_83 = vector.shape_cast %get3A_82 : vector<16xi32> to vector<16xi32>
      %and3A = arith.constant 8191 : i32
      %and3A_84 = vector.broadcast %and3A : i32 to vector<16xi32>
      %and3A_85 = arith.andi %get3A_77, %and3A_84 : vector<16xi32>
      %add3A_86 = arith.constant 1000000 : i32
      %add3A_87 = vector.broadcast %add3A_86 : i32 to vector<16xi32>
      %add3A_88 = arith.addi %add3A_87, %and3A_85 : vector<16xi32>
      %select_n3A = arith.select %gt3A, %get3A_83, %add3A_88 : vector<16xi1>, vector<16xi32>
      %swap3A = arith.index_cast %mul3A_75 : i32 to index
      %swap3A_89 = tpu.vector_load %arg9[%swap3A] {strides = array<i32>} : memref<1024xi32, #tpu.memory_space<vmem>>, vector<16xi32>,
      %swap3A_90 = vector.shape_cast %swap3A_89 : vector<16xi32> to vector<16xi32>
      %swap3A_91 = vector.shape_cast %select_n3A : vector<16xi32> to vector<16xi32>
      tpu.vector_store %arg9[%swap3A], %swap3A_91 {strides = array<i32>} : memref<1024xi32, #tpu.memory_space<vmem>>, vector<16xi32>,
    }
    %scan3A_33 = arith.constant 64 : i32
    "tpu.region"() ({
      %run_scoped3A = tpu.sem_alloc : memref<!tpu.dma_semaphore, #tpu.memory_space<semaphore_mem>>
      %dma_start3A_73 = arith.constant 0 : i32
      %dma_start3A_74 = tpu.memref_slice %arg5[%dma_start3A_73] : memref<1008192xi32, #tpu.memory_space<vmem_shared>> -> memref<1008192xi32, #tpu.memory_space<vmem_shared>>
      tpu.enqueue_indirect_dma source(%arg7 : memref<1024xi32, #tpu.memory_space<vmem>>) target(%dma_start3A_74 : memref<1008192xi32, #tpu.memory_space<vmem_shared>>) offsets(%arg9 : memref<1024xi32, #tpu.memory_space<vmem>>) semaphore(%run_scoped3A : memref<!tpu.dma_semaphore, #tpu.memory_space<semaphore_mem>>)
      %dma_wait3A_75 = arith.constant 0 : i32
      %dma_wait3A_76 = tpu.memref_slice %arg5[%dma_wait3A_75] : memref<1008192xi32, #tpu.memory_space<vmem_shared>> -> memref<1008192xi32, #tpu.memory_space<vmem_shared>>
      tpu.wait_indirect_dma semaphore(%run_scoped3A : memref<!tpu.dma_semaphore, #tpu.memory_space<semaphore_mem>>) src(%arg7 : memref<1024xi32, #tpu.memory_space<vmem>>) dst(%dma_wait3A_76 : memref<1008192xi32, #tpu.memory_space<vmem_shared>>)
      tpu.yield
    }) : () -> ()
    %barrier3A_34 = arith.constant 0 : index
    tpu.barrier barrier_id(%barrier3A_34)
    %dma_wait3A_35 = tpu.memref_slice %arg3[%mul3A_4] : memref<16384xi32, #tpu.memory_space<hbm>> -> memref<512xi32, #tpu.memory_space<hbm>>
    %dma_wait3A_36 = tpu.memref_slice %arg3[%mul3A_4] : memref<16384xi32, #tpu.memory_space<hbm>> -> memref<512xi32, #tpu.memory_space<hbm>>
    tpu.wait_dma2 semaphore(%arg14 : memref<!tpu.dma_semaphore, #tpu.memory_space<semaphore_mem>>) src(%dma_wait3A_36 : memref<512xi32, #tpu.memory_space<hbm>>) dst(%arg10 : memref<512xi32, #tpu.memory_space<vmem>>)
    "tpu.region"() ({
      %run_scoped3A = tpu.sem_alloc : memref<!tpu.dma_semaphore, #tpu.memory_space<semaphore_mem>>
      %dma_start3A_73 = arith.constant 0 : i32
      %dma_start3A_74 = tpu.memref_slice %arg5[%dma_start3A_73] : memref<1008192xi32, #tpu.memory_space<vmem_shared>> -> memref<1008192xi32, #tpu.memory_space<vmem_shared>>
      tpu.enqueue_indirect_dma source(%dma_start3A_74 : memref<1008192xi32, #tpu.memory_space<vmem_shared>>) target(%arg11 : memref<512xi32, #tpu.memory_space<vmem>>) offsets(%arg10 : memref<512xi32, #tpu.memory_space<vmem>>) semaphore(%run_scoped3A : memref<!tpu.dma_semaphore, #tpu.memory_space<semaphore_mem>>)
      %dma_wait3A_75 = arith.constant 0 : i32
      %dma_wait3A_76 = tpu.memref_slice %arg5[%dma_wait3A_75] : memref<1008192xi32, #tpu.memory_space<vmem_shared>> -> memref<1008192xi32, #tpu.memory_space<vmem_shared>>
      tpu.wait_indirect_dma semaphore(%run_scoped3A : memref<!tpu.dma_semaphore, #tpu.memory_space<semaphore_mem>>) src(%dma_wait3A_76 : memref<1008192xi32, #tpu.memory_space<vmem_shared>>) dst(%arg11 : memref<512xi32, #tpu.memory_space<vmem>>)
      tpu.yield
    }) : () -> ()
    %dma_start3A_37 = arith.constant 0 : i32
    %dma_start3A_38 = arith.constant 0 : i32
    %dma_start3A_39 = tpu.memref_slice %arg12[%dma_start3A_37, %dma_start3A_38] : memref<512x64xf32, #tpu.memory_space<vmem>> -> memref<256x64xf32, #tpu.memory_space<vmem>>
    %dma_start3A_40 = arith.constant 0 : i32
    %dma_start3A_41 = tpu.memref_slice %arg11[%dma_start3A_40] : memref<512xi32, #tpu.memory_space<vmem>> -> memref<256xi32, #tpu.memory_space<vmem>>
    %dma_start3A_42 = arith.constant 0 : i32
    %dma_start3A_43 = arith.constant 0 : i32
    %dma_start3A_44 = tpu.memref_slice %arg2[%dma_start3A_42, %dma_start3A_43] : memref<16384x64xf32, #tpu.memory_space<hbm>> -> memref<16384x64xf32, #tpu.memory_space<hbm>>
    tpu.enqueue_indirect_dma source(%dma_start3A_44 : memref<16384x64xf32, #tpu.memory_space<hbm>>) target(%dma_start3A_39 : memref<256x64xf32, #tpu.memory_space<vmem>>) offsets(%dma_start3A_41 : memref<256xi32, #tpu.memory_space<vmem>>) semaphore(%arg15 : memref<!tpu.dma_semaphore, #tpu.memory_space<semaphore_mem>>)
    %dma_start3A_45 = arith.constant 256 : i32
    %dma_start3A_46 = arith.constant 0 : i32
    %dma_start3A_47 = tpu.memref_slice %arg12[%dma_start3A_45, %dma_start3A_46] : memref<512x64xf32, #tpu.memory_space<vmem>> -> memref<256x64xf32, #tpu.memory_space<vmem>>
    %dma_start3A_48 = arith.constant 256 : i32
    %dma_start3A_49 = tpu.memref_slice %arg11[%dma_start3A_48] : memref<512xi32, #tpu.memory_space<vmem>> -> memref<256xi32, #tpu.memory_space<vmem>>
    %dma_start3A_50 = arith.constant 0 : i32
    %dma_start3A_51 = arith.constant 0 : i32
    %dma_start3A_52 = tpu.memref_slice %arg2[%dma_start3A_50, %dma_start3A_51] : memref<16384x64xf32, #tpu.memory_space<hbm>> -> memref<16384x64xf32, #tpu.memory_space<hbm>>
    tpu.enqueue_indirect_dma source(%dma_start3A_52 : memref<16384x64xf32, #tpu.memory_space<hbm>>) target(%dma_start3A_47 : memref<256x64xf32, #tpu.memory_space<vmem>>) offsets(%dma_start3A_49 : memref<256xi32, #tpu.memory_space<vmem>>) semaphore(%arg16 : memref<!tpu.dma_semaphore, #tpu.memory_space<semaphore_mem>>)
    %dma_wait3A_53 = arith.constant 0 : i32
    %dma_wait3A_54 = arith.constant 0 : i32
    %dma_wait3A_55 = tpu.memref_slice %arg12[%dma_wait3A_53, %dma_wait3A_54] : memref<512x64xf32, #tpu.memory_space<vmem>> -> memref<256x64xf32, #tpu.memory_space<vmem>>
    %dma_wait3A_56 = arith.constant 0 : i32
    %dma_wait3A_57 = tpu.memref_slice %arg11[%dma_wait3A_56] : memref<512xi32, #tpu.memory_space<vmem>> -> memref<256xi32, #tpu.memory_space<vmem>>
    %dma_wait3A_58 = arith.constant 0 : i32
    %dma_wait3A_59 = arith.constant 0 : i32
    %dma_wait3A_60 = tpu.memref_slice %arg2[%dma_wait3A_58, %dma_wait3A_59] : memref<16384x64xf32, #tpu.memory_space<hbm>> -> memref<16384x64xf32, #tpu.memory_space<hbm>>
    tpu.wait_indirect_dma semaphore(%arg15 : memref<!tpu.dma_semaphore, #tpu.memory_space<semaphore_mem>>) src(%dma_wait3A_60 : memref<16384x64xf32, #tpu.memory_space<hbm>>) dst(%dma_wait3A_55 : memref<256x64xf32, #tpu.memory_space<vmem>>)
    %add3A_61 = arith.constant 0 : i32
    %add3A_62 = arith.addi %mul3A_4, %add3A_61 : i32
    "tpu.region"() ({
      %run_scoped3A = tpu.sem_alloc : memref<!tpu.dma_semaphore, #tpu.memory_space<semaphore_mem>>
      %dma_start3A_73 = arith.constant 0 : i32
      %dma_start3A_74 = arith.constant 0 : i32
      %dma_start3A_75 = tpu.memref_slice %arg12[%dma_start3A_73, %dma_start3A_74] : memref<512x64xf32, #tpu.memory_space<vmem>> -> memref<256x64xf32, #tpu.memory_space<vmem>>
      %dma_start3A_76 = arith.constant 0 : i32
      %dma_start3A_77 = tpu.memref_slice %arg4[%add3A_62, %dma_start3A_76] : memref<16384x64xf32, #tpu.memory_space<hbm>> -> memref<256x64xf32, #tpu.memory_space<hbm>>
      %dma_start3A_78 = arith.constant 0 : i32
      %dma_start3A_79 = tpu.memref_slice %arg4[%add3A_62, %dma_start3A_78] : memref<16384x64xf32, #tpu.memory_space<hbm>> -> memref<256x64xf32, #tpu.memory_space<hbm>>
      %dma_start3A_80 = arith.constant 0 : i32
      %dma_start3A_81 = arith.constant 0 : i32
      %dma_start3A_82 = tpu.memref_slice %arg12[%dma_start3A_80, %dma_start3A_81] : memref<512x64xf32, #tpu.memory_space<vmem>> -> memref<256x64xf32, #tpu.memory_space<vmem>>
      tpu.enqueue_dma source(%dma_start3A_82 : memref<256x64xf32, #tpu.memory_space<vmem>>) target(%dma_start3A_79 : memref<256x64xf32, #tpu.memory_space<hbm>>) target_semaphore(%run_scoped3A : memref<!tpu.dma_semaphore, #tpu.memory_space<semaphore_mem>>)
      %dma_wait3A_83 = arith.constant 0 : i32
      %dma_wait3A_84 = arith.constant 0 : i32
      %dma_wait3A_85 = tpu.memref_slice %arg12[%dma_wait3A_83, %dma_wait3A_84] : memref<512x64xf32, #tpu.memory_space<vmem>> -> memref<256x64xf32, #tpu.memory_space<vmem>>
      %dma_wait3A_86 = arith.constant 0 : i32
      %dma_wait3A_87 = tpu.memref_slice %arg4[%add3A_62, %dma_wait3A_86] : memref<16384x64xf32, #tpu.memory_space<hbm>> -> memref<256x64xf32, #tpu.memory_space<hbm>>
      %dma_wait3A_88 = arith.constant 0 : i32
      %dma_wait3A_89 = tpu.memref_slice %arg4[%add3A_62, %dma_wait3A_88] : memref<16384x64xf32, #tpu.memory_space<hbm>> -> memref<256x64xf32, #tpu.memory_space<hbm>>
      %dma_wait3A_90 = arith.constant 0 : i32
      %dma_wait3A_91 = arith.constant 0 : i32
      %dma_wait3A_92 = tpu.memref_slice %arg12[%dma_wait3A_90, %dma_wait3A_91] : memref<512x64xf32, #tpu.memory_space<vmem>> -> memref<256x64xf32, #tpu.memory_space<vmem>>
      tpu.wait_dma2 semaphore(%run_scoped3A : memref<!tpu.dma_semaphore, #tpu.memory_space<semaphore_mem>>) src(%dma_wait3A_92 : memref<256x64xf32, #tpu.memory_space<vmem>>) dst(%dma_wait3A_89 : memref<256x64xf32, #tpu.memory_space<hbm>>)
      tpu.yield
    }) : () -> ()
    %dma_wait3A_63 = arith.constant 256 : i32
    %dma_wait3A_64 = arith.constant 0 : i32
    %dma_wait3A_65 = tpu.memref_slice %arg12[%dma_wait3A_63, %dma_wait3A_64] : memref<512x64xf32, #tpu.memory_space<vmem>> -> memref<256x64xf32, #tpu.memory_space<vmem>>
    %dma_wait3A_66 = arith.constant 256 : i32
    %dma_wait3A_67 = tpu.memref_slice %arg11[%dma_wait3A_66] : memref<512xi32, #tpu.memory_space<vmem>> -> memref<256xi32, #tpu.memory_space<vmem>>
    %dma_wait3A_68 = arith.constant 0 : i32
    %dma_wait3A_69 = arith.constant 0 : i32
    %dma_wait3A_70 = tpu.memref_slice %arg2[%dma_wait3A_68, %dma_wait3A_69] : memref<16384x64xf32, #tpu.memory_space<hbm>> -> memref<16384x64xf32, #tpu.memory_space<hbm>>
    tpu.wait_indirect_dma semaphore(%arg16 : memref<!tpu.dma_semaphore, #tpu.memory_space<semaphore_mem>>) src(%dma_wait3A_70 : memref<16384x64xf32, #tpu.memory_space<hbm>>) dst(%dma_wait3A_65 : memref<256x64xf32, #tpu.memory_space<vmem>>)
    %add3A_71 = arith.constant 256 : i32
    %add3A_72 = arith.addi %mul3A_4, %add3A_71 : i32
    "tpu.region"() ({
      %run_scoped3A = tpu.sem_alloc : memref<!tpu.dma_semaphore, #tpu.memory_space<semaphore_mem>>
      %dma_start3A_73 = arith.constant 256 : i32
      %dma_start3A_74 = arith.constant 0 : i32
      %dma_start3A_75 = tpu.memref_slice %arg12[%dma_start3A_73, %dma_start3A_74] : memref<512x64xf32, #tpu.memory_space<vmem>> -> memref<256x64xf32, #tpu.memory_space<vmem>>
      %dma_start3A_76 = arith.constant 0 : i32
      %dma_start3A_77 = tpu.memref_slice %arg4[%add3A_72, %dma_start3A_76] : memref<16384x64xf32, #tpu.memory_space<hbm>> -> memref<256x64xf32, #tpu.memory_space<hbm>>
      %dma_start3A_78 = arith.constant 0 : i32
      %dma_start3A_79 = tpu.memref_slice %arg4[%add3A_72, %dma_start3A_78] : memref<16384x64xf32, #tpu.memory_space<hbm>> -> memref<256x64xf32, #tpu.memory_space<hbm>>
      %dma_start3A_80 = arith.constant 256 : i32
      %dma_start3A_81 = arith.constant 0 : i32
      %dma_start3A_82 = tpu.memref_slice %arg12[%dma_start3A_80, %dma_start3A_81] : memref<512x64xf32, #tpu.memory_space<vmem>> -> memref<256x64xf32, #tpu.memory_space<vmem>>
      tpu.enqueue_dma source(%dma_start3A_82 : memref<256x64xf32, #tpu.memory_space<vmem>>) target(%dma_start3A_79 : memref<256x64xf32, #tpu.memory_space<hbm>>) target_semaphore(%run_scoped3A : memref<!tpu.dma_semaphore, #tpu.memory_space<semaphore_mem>>)
      %dma_wait3A_83 = arith.constant 256 : i32
      %dma_wait3A_84 = arith.constant 0 : i32
      %dma_wait3A_85 = tpu.memref_slice %arg12[%dma_wait3A_83, %dma_wait3A_84] : memref<512x64xf32, #tpu.memory_space<vmem>> -> memref<256x64xf32, #tpu.memory_space<vmem>>
      %dma_wait3A_86 = arith.constant 0 : i32
      %dma_wait3A_87 = tpu.memref_slice %arg4[%add3A_72, %dma_wait3A_86] : memref<16384x64xf32, #tpu.memory_space<hbm>> -> memref<256x64xf32, #tpu.memory_space<hbm>>
      %dma_wait3A_88 = arith.constant 0 : i32
      %dma_wait3A_89 = tpu.memref_slice %arg4[%add3A_72, %dma_wait3A_88] : memref<16384x64xf32, #tpu.memory_space<hbm>> -> memref<256x64xf32, #tpu.memory_space<hbm>>
      %dma_wait3A_90 = arith.constant 256 : i32
      %dma_wait3A_91 = arith.constant 0 : i32
      %dma_wait3A_92 = tpu.memref_slice %arg12[%dma_wait3A_90, %dma_wait3A_91] : memref<512x64xf32, #tpu.memory_space<vmem>> -> memref<256x64xf32, #tpu.memory_space<vmem>>
      tpu.wait_dma2 semaphore(%run_scoped3A : memref<!tpu.dma_semaphore, #tpu.memory_space<semaphore_mem>>) src(%dma_wait3A_92 : memref<256x64xf32, #tpu.memory_space<vmem>>) dst(%dma_wait3A_89 : memref<256x64xf32, #tpu.memory_space<hbm>>)
      tpu.yield
    }) : () -> ()
    return
  }
}

</mosaic_0001>

<sc_bundles>
// kernel: kernel.3.cloned.1.call-start
scs
__scs_entry_jumppad:
0x0: {  	(pc) =	sbr.rel $0x88, $3  }
0x1: {  	(tag) =	ssettag $0x0;
	lr =	simm.s32 $0x1  }
0x2: {  	[smem:$0x3F9F] =	sst lr;
	_ =	strace $0xD0000000  }
0x3: {  	_ = 	snop  }
0x4: {  	_ = 	snop  }
0x5: {  	_ = 	snop  }
0x6: {  	_ = 	snop  }
0x7: {  	_ = 	snop  }
__scs_overlays_trampoline_lowered:
0x8: {  	[smem:$0x3FAE] =	sst s0  }
0x9: {  	[smem:$0x3FAF] =	sst s1  }
0xa: {  	[smem:$0x3FB0] =	sst s2  }
0xb: {  	[smem:$0x3FB1] =	sst s3  }
0xc: {  	[smem:$0x3FB2] =	sst s4  }
0xd: {  	[smem:$0x3FB3] =	sst s5  }
0xe: {  	[smem:$0x3FB4] =	sst s6  }
0xf: {  	[smem:$0x3FB5] =	sst s7  }
0x10: {  	[smem:$0x3FB6] =	sst s8  }
0x11: {  	[smem:$0x3FB7] =	sst s9;
	s0 =	simm.s32 @!p0 $0x0  }
0x12: {  	s1 =	sld [smem:$0x3F9D];
	s0 =	simm.s32 @p0 $0x1  }
0x13: {  	[smem:$0x3FB8] =	sst s0;
	s0 =	simm.s32 @!p1 $0x0  }
0x14: {  	s2 =	sld [smem:$0x3F9C];
	s0 =	simm.s32 @p1 $0x1  }
0x15: {  	[smem:$0x3FB9] =	sst s0;
	s0 =	simm.s32 @!p2 $0x0  }
0x16: {  	s3 =	sld [smem:$0x3FDB];
	s0 =	simm.s32 @p2 $0x1  }
0x17: {  	s4 =	simm.s32 $0x1BF5;
	[smem:$0x3FBB] =	sst s0  }
0x18: {  	s0 =	sld [smem:$0x3F9E];
	_ =	swait.ge [sflag:s4], $0x0  }
0x19: {  	s7 =	sld [smem:$0x3F9F]  }
0x1a: {  	s8 =	sadd.s32 $0xFFFFE003, lr  }
0x1b: {  	s9 =	sadd.s32 $0xFFFFFEF7, lr;
	s5 =	simm.s32 $0xFFFFFFFF;
	p2 =	slt.u32 s8, $0xFFFFF086  }
0x1c: {  	p1 =	slt.u32 s9, $0xF7A;
	s5 =	simm.s32 @!p2 $0x0  }
0x1d: {  	s5 =	simm.s32 @p1 $0x1;
	p0 =	seq.s32 s7, s2  }
0x1e: {  	s7 =	smul.u32 @!p0 $0xF7A, s2;
	p2 =	seq.s32 @!p0 s5, $0x0  }
0x1f: {  	s9 =	smul.u32 $0xF7A, s1;
	s8 =	simm.s32 @!p0 $0x1BF5;
	p2 =	por !p2, p0  }
0x20: {  	[sflag:s8] =	ssyncset.s32 @!p0 $0xFFFFF086;
	s6 =	sadd.s32 @!p0 s3, s7;
	s7 =	simm.s32 @!p0 $0x108  }
0x21: {  	s3 =	sadd.s32 s3, s9;
	s6 =	sadd.s32 @!p0 $0x88, s6;
	s7 =	simm.s32 @p2 $0x1082  }
0x22: {  	[simem:s7], [sflag:s8] =	dma.local @!p0 [hbm:s6], $0xF7A  }
0x23: {  	s9 =	sor.u32 $0xD0000000, s2;
	s6 =	simm.s32 $0x108;
	_ =	swait.ge @!p0 [sflag:s8], $0x0  }
0x24: {  	s3 =	sadd.s32 $0x88, s3;
	s6 =	simm.s32 @!p1 $0x1082;
	[sflag:s4] =	ssyncset.s32 $0xFFFFF086  }
0x25: {  	[simem:s6], [sflag:s4] =	dma.local [hbm:s3], $0xF7A  }
0x26: {  	[smem:$0x3F9F] =	sst s1;
	(tag) =	ssettag s2;
	_ =	strace s9  }
0x27: {  	s1 =	sld [smem:$0x3FAF]  }
0x28: {  	s2 =	sld [smem:$0x3FB0]  }
0x29: {  	s4 =	sld [smem:$0x3FB2]  }
0x2a: {  	p0 =	seq.s32 s5, $0x0;
	s5 =	sld [smem:$0x3FB3]  }
0x2b: {  	s6 =	sld [smem:$0x3FB4]  }
0x2c: {  	s7 =	sld [smem:$0x3FB5]  }
0x2d: {  	s3 =	simm.s32 $0x108;
	s8 =	sld [smem:$0x3FB6]  }
0x2e: {  	s3 =	simm.s32 @!p0 $0x1082;
	s9 =	sld [smem:$0x3FB7]  }
0x2f: {  	lr =	sadd.s32 s0, s3;
	s0 =	sld [smem:$0x3FAE]  }
0x30: {  	s3 =	sld [smem:$0x3FB1]  }
0x31: {  	[smem:$0x3FBA] =	sst s10  }
0x32: {  	s10 =	sld [smem:$0x3FB8];
	_ =	sdelay $0x3  }
0x33: {  	p0 =	seq.s32 s10, $0x1;
	s10 =	sld [smem:$0x3FBA];
	_ =	sdelay $0x3  }
0x34: {  	[smem:$0x3FBA] =	sst s10  }
0x35: {  	s10 =	sld [smem:$0x3FB9];
	_ =	sdelay $0x3  }
0x36: {  	p1 =	seq.s32 s10, $0x1;
	s10 =	sld [smem:$0x3FBA];
	_ =	sdelay $0x3  }
0x37: {  	[smem:$0x3FBA] =	sst s10  }
0x38: {  	s10 =	sld [smem:$0x3FBB]  }
0x39: {  	_ = 	snop;
	(pc) =	sbr.ind lr, $3  }
0x3a: {  	_ = 	snop  }
0x3b: {  	_ = 	snop  }
0x3c: {  	p2 =	seq.s32 s10, $0x1;
	s10 =	sld [smem:$0x3FBA]  }
0x3d: {  	_ =	shalt  }
0x3e: {  	_ =	shalt  }
0x3f: {  	_ =	shalt  }
0x40: {  	_ =	shalt  }
0x41: {  	_ =	shalt  }
0x42: {  	_ =	shalt  }
0x43: {  	_ =	shalt  }
0x44: {  	_ =	shalt  }
0x45: {  	_ =	shalt  }
0x46: {  	_ =	shalt  }
0x47: {  	_ =	shalt  }
0x48: {  	_ =	shalt  }
0x49: {  	_ =	shalt  }
0x4a: {  	_ =	shalt  }
0x4b: {  	_ =	shalt  }
0x4c: {  	_ =	shalt  }
0x4d: {  	_ =	shalt  }
0x4e: {  	_ =	shalt  }
0x4f: {  	_ =	shalt  }
0x50: {  	_ =	shalt  }
0x51: {  	_ =	shalt  }
0x52: {  	_ =	shalt  }
0x53: {  	_ =	shalt  }
0x54: {  	_ =	shalt  }
0x55: {  	_ =	shalt  }
0x56: {  	_ =	shalt  }
0x57: {  	_ =	shalt  }
0x58: {  	_ =	shalt  }
0x59: {  	_ =	shalt  }
0x5a: {  	_ =	shalt  }
0x5b: {  	_ =	shalt  }
0x5c: {  	_ =	shalt  }
0x5d: {  	_ =	shalt  }
0x5e: {  	_ =	shalt  }
0x5f: {  	_ =	shalt  }
0x60: {  	_ =	shalt  }
0x61: {  	_ =	shalt  }
0x62: {  	_ =	shalt  }
0x63: {  	_ =	shalt  }
0x64: {  	_ =	shalt  }
0x65: {  	_ =	shalt  }
0x66: {  	_ =	shalt  }
0x67: {  	_ =	shalt  }
0x68: {  	_ =	shalt  }
0x69: {  	_ =	shalt  }
0x6a: {  	_ =	shalt  }
0x6b: {  	_ =	shalt  }
0x6c: {  	_ =	shalt  }
0x6d: {  	_ =	shalt  }
0x6e: {  	_ =	shalt  }
0x6f: {  	_ =	shalt  }
0x70: {  	_ =	shalt  }
0x71: {  	_ =	shalt  }
0x72: {  	_ =	shalt  }
0x73: {  	_ =	shalt  }
0x74: {  	_ =	shalt  }
0x75: {  	_ =	shalt  }
0x76: {  	_ =	shalt  }
0x77: {  	_ =	shalt  }
0x78: {  	_ =	shalt  }
0x79: {  	_ =	shalt  }
0x7a: {  	_ =	shalt  }
0x7b: {  	_ =	shalt  }
0x7c: {  	_ =	shalt  }
0x7d: {  	_ =	shalt  }
0x7e: {  	_ =	shalt  }
0x7f: {  	_ =	shalt  }
0x80: {  	_ =	shalt  }
0x81: {  	_ =	shalt  }
0x82: {  	_ =	shalt  }
0x83: {  	_ =	shalt  }
0x84: {  	_ =	shalt  }
0x85: {  	_ =	shalt  }
0x86: {  	_ =	shalt  }
0x87: {  	_ =	shalt  }
.Lfunc_end0:
.L_simem_size_0:
called_computation_lowered:
.L_overlay_start_0:
0x88: {  	s2 =	sld [smem:$0x3FD9]  }
0x89: {  	s3 =	sld [smem:$0x3FFE];
	_ =	sdelay $0x1  }
0x8a: {  	s1 =	srdreg.scid  }
0x8b: {  	s0 =	sand.u32 $0x1, s1  }
0x8c: {  	s17 =	sshll.u32 s0, $0xA;
	s2 =	sadd.s32 s3, s2  }
0x8d: {  	s2 =	sadd.s32 s2, s17  }
0x8e: {  	[smem:$0x3FC6] =	sst s2  }
0x8f: {  	_ = 	snop  }
0x90: {  	s2 =	sld [smem:$0x3FC8]  }
0x91: {  	s18 =	sld [smem:$0x3FD0];
	(tm) =	ssettm $0x1  }
0x92: {  	s4 =	sld [smem:$0x3FFB];
	_ =	sdelay $0x3  }
0x93: {  	_ =	strace s4  }
0x94: {  	s4 =	sld [smem:$0x3FFC];
	_ =	sdelay $0x3  }
0x95: {  	_ =	strace s4  }
0x96: {  	s4 =	sld [smem:$0x3FFD];
	_ =	sdelay $0x3  }
0x97: {  	_ =	strace s4  }
0x98: {  	_ =	strace $0x8FFFFFFF  }
0x99: {  	s19 =	sld [smem:$0x3FDB];
	_ =	sdelay $0x1  }
0x9a: {  	s5 =	simm.s32 $_scs_section_size  }
0x9b: {  	s6 =	simm.s32 $_size__tile_overlayer_lowered;
	s7 =	simm.s32 $_tile_overlayer_lowered  }
0x9c: {  	s22 =	simm.s32 $0x1BFF;
	s21 =	sshll.u32 s7, $0x1;
	s4 =	sadd.s32 s5, s19  }
0x9d: {  	s8 =	simm.s32 $0x0;
	s20 =	sshll.u32 s6, $0x1;
	s6 =	sadd.s32 s21, s4  }
0x9e: {  	[timem:s8], [sflag:s22] =	dma.local [hbm:s6], s20  }
0x9f: {  	_ =	swait.ge [sflag:s22], s20  }
0xa0: {  	s5 =	ssub.s32 $0x0, s20;
	[sflag:s22] =	ssyncset.done $0x0  }
0xa1: {  	[sflag:s22] =	ssyncadd.s32 s5;
	_ =	sdelay $0x1  }
0xa2: {  	s23 =	simm.s32 $0x1B8B  }
0xa3: {  	_ =	swait.ge [sflag:s23], $0x1  }
0xa4: {  	[sflag:s23] =	ssyncset.done $0x0  }
0xa5: {  	s25 =	simm.s32 $0x1B8E;
	s24 =	sld [smem:$0x3FFE];
	[sflag:s23] =	ssyncadd.s32 $0xFFFFFFFF  }
0xa6: {  	s26 =	simm.s32 $execute0_lowered;
	[smem:$0x3FD2] =	sst s25  }
0xa7: {  	s6 =	sshll.u32 s26, $0x1;
	_ =	strace $0x80000046;
	[dreg:$0x1] =	wrdreg $0xFFFFFFFF  }
0xa8: {  	s28 =	simm.s32 $_size_execute0_lowered;
	s4 =	sadd.s32 s4, s6;
	[dreg:$0x0] =	wrdreg $0x0  }
0xa9: {  	s6 =	sshll.u32 s28, $0x1;
	[dreg:$0x2] =	wrdreg s4  }
0xaa: {  	[dreg:$0x3] =	wrdreg s6  }
0xab: {  	[dreg:$0x4] =	wrdreg $0xC0  }
0xac: {  	_ =	task [dreg:s8], $0x5FFFF  }
0xad: {  	[dreg:$0x1] =	wrdreg $0xFFFFFFFF  }
0xae: {  	[dreg:$0x0] =	wrdreg $0x60  }
0xaf: {  	[dreg:$0x2] =	wrdreg s18  }
0xb0: {  	[dreg:$0x3] =	wrdreg s2  }
0xb1: {  	[dreg:$0x4] =	wrdreg s24  }
0xb2: {  	[dreg:$0x5] =	wrdreg $0x0  }
0xb3: {  	[dreg:$0x6] =	wrdreg $0x9  }
0xb4: {  	_ =	task.clear_ibuf [dreg:s8], $0x7FFFF;
	_ =	strace $0x90000046  }
0xb5: {  	s29 =	simm.s32 $0x9;
	_ =	strace $0x80000048  }
0xb6: {  	_ =	swait.ge [sflag:s29], $0x1  }
0xb7: {  	[sflag:s29] =	ssyncadd.s32 $0xFFFFFFFF  }
0xb8: {  	_ =	strace $0x90000048  }
0xb9: {  	_ =	sfence  }
0xba: {  	s30 =	sld [smem:$0x0];
	_ =	sdelay $0x2  }
0xbb: {  	s31 =	sshll.u32 s1, $0xD;
	s1 =	sshrl.u32 s1, $0x2  }
0xbc: {  	s3 =	sand.u32 $0x4000, s31;
	s1 =	sadd.s32 s1, s30  }
0xbd: {  	s0 =	sor.u32 s3, s0;
	s1 =	sshll.u32 s1, $0x11  }
0xbe: {  	s0 =	sor.u32 s1, s0  }
0xbf: {  	s0 =	sadd.s32 $0x8F2B, s0  }
0xc0: {  	[sflag:s0] =	ssyncadd.remote.s32 $0x1  }
0xc1: {  	_ =	sfence.sel $0xFFFF  }
0xc2: {  	[dreg:$0x0] =	wrdreg $0xFFFFFFFF;
	(pc) =	sbr.abs _section_cstart, $3  }
0xc3: {  	[dreg:$0x1] =	wrdreg $0xFFFFFFFF  }
0xc4: {  	_ =	task.clear_ibuf [dreg:s8], $0x2FFFF;
	_ =	strace $0x9FFFFFFF  }
0xc5: {  	(tm) =	ssettm $0x7FFFFFFF  }
tec
execute0_lowered:
.L_overlay_start_1:
0x0: {  	(tag) =	ssettag $0x1  }
0x1: {  	s1 =	rddreg [dreg:$0x0]  }
0x2: {  	s2 =	rddreg [dreg:$0x1]  }
0x3: {  	s3 =	srdreg.scid;
	s6 =	rddreg [dreg:$0x2]  }
0x4: {  	s0 =	stileid.u32;
	s5 =	simm.s32 $0x0;
	s12 =	simm.s32 $0x10628  }
0x5: {  	s13 =	simm.s32 $0x1;
	s14 =	simm.s32 $0x400;
	s15 =	simm.s32 $0xFA28  }
0x6: {  	s16 =	simm.s32 $0x5;
	s17 =	simm.s32 $0xFE28;
	s18 =	simm.s32 $0x10228  }
0x7: {  	s19 =	simm.s32 $0x2;
	s20 =	simm.s32 $0x200;
	s21 =	simm.s32 $0x10828  }
0x8: {  	s22 =	simm.s32 $0x100;
	s23 =	simm.s32 $0x10A28;
	s24 =	simm.s32 $0x10928  }
0x9: {  	s25 =	simm.s32 $0x14A28;
	s26 =	simm.s32 $0x3;
	s28 =	simm.s32 $0x4  }
0xa: {  	s29 =	simm.s32 $0x0;
	s7 =	sand.u32 $0x1, s3;
	s3 =	rddreg [dreg:$0x3]  }
0xb: {  	s4 =	sshll.u32 s0, $0xA;
	[smem:$0x7FF] =	sst s5;
	s8 =	sshll.u32 s7, $0x9  }
0xc: {  	s10 =	sshll.u32 s0, $0x7;
	s31 =	ssub.s32 $0x2, s7;
	s8 =	sor.u32 s8, s4  }
0xd: {  	_ =	strace $0x80000047;
	s7 =	sshrl.u32 s31, $0x1;
	s9 =	sshll.u32 s8, $0x3  }
0xe: {  	s8 =	sshrl.u32 s8, $0x3;
	s11 =	ssub.s32 s31, s7;
	s9 =	sadd.s32 s9, s6  }
0xf: {  	s6 =	sadd.s32 s2, s10;
	s7 =	sadd.s32 s2, s8;
	s10 =	smax.u32 s11, $0x1  }
0x10: {  	v0 =	vlaneseq.u32;
	s11 =	simm.s32 $0xF628;
	s8 =	sadd.s32 $0x400, s9;
	s9 =	sadd.s32 $0xC00, s9  }
.LBB2_1:
0x11: {  	[tilespmem:s11], [sflag:$0x1] =	stream.linear.gather [hbm4b:s6+s5], $0x400, $0x38;
	[tilespmem:$0x18A28] =	vst v63  }
0x12: {  	s30 =	simm.s32 $0x40;
	s2 =	simm.s32 $0x0;
	s31 =	smov.u32 s4  }
0x13: {  	v1 =	vor.u32 s4, v0;
	[tilespmem:s12], [sflag:$0x2] =	stream.linear.gather [hbm4b:s7+s5], $0x200, $0x38;
	[tilespmem:$0x18A28] =	vst v63  }
.LBB2_2:
0x14: {  	p0 =	sne.s32 s30, $0xFC0  }
0x15: {  	[tilespmem:s2+$0xFA28] =	vst v1;
	s31 =	sadd.s32 $0x10, s31;
	s2 =	smov.u32 s30;
	s30 =	sadd.s32 $0x40, s30  }
.Ltmp0:
0x16: {  	(pc) =	sbr.rel @p0 .LBB2_2-.Ltmp0, $2  }
0x17: {  	_ =	sdelay $0x2  }
0x18: {  	v1 =	vor.u32 s31, v0;
	s2 =	sshra.s32 s2, $0x2  }
0x19: {  	[tilespmem:s2+$0xFA28] =	vst v1  }
0x1a: {  	_ =	swait.ge [sflag:s13], $0x400  }
0x1b: {  	[sflag:s13] =	ssyncset.done $0x0  }
0x1c: {  	[sflag:s13] =	ssyncadd.s32 $0xFFFFFC00  }
0x1d: {  	[spmem:s3] =	stream.indirect.scatter [tilespmem:s15], [sflag:$0x5], $0x1, s11, s14, $0xb8;
	[tilespmem:$0x18A28] =	vst v63  }
0x1e: {  	_ =	swait.ge [sflag:s16], $0x400  }
0x1f: {  	[sflag:s16] =	ssyncset.done $0x0  }
0x20: {  	[sflag:s16] =	ssyncadd.s32 $0xFFFFFC00  }
0x21: {  	[bflag:$0x0] =	sbarrier.arrive $0xFFFF  }
0x22: {  	[tilespmem:s17], [sflag:$0x5] =	stream.indirect.gather [spmem:s3], $0x1, s11, s14, $0xb8;
	[tilespmem:$0x18A28] =	vst v63  }
0x23: {  	_ =	swait.ge [sflag:s16], $0x400  }
0x24: {  	[sflag:s16] =	ssyncset.done $0x0  }
0x25: {  	s30 =	simm.s32 $0x0;
	[sflag:s16] =	ssyncadd.s32 $0xFFFFFC00  }
0x26: {  	v1 =	vld [tilespmem:s30+$0xFA28]  }
0x27: {  	v3 =	vld [tilespmem:s30+$0xFE28]  }
0x28: {  	s31 =	simm.s32 $0x40;
	v2 =	vld [tilespmem:s30+$0xF628]  }
.LBB2_4:
0x29: {  	p0 =	sne.s32 s31, $0xFC0  }
.Ltmp1:
0x2a: {  	_ = 	snop;
	(pc) =	sbr.rel @p0 .LBB2_4-.Ltmp1, $4  }
0x2b: {  	s2 =	sshra.s32 s31, $0x2;
	v4 =	vand.u32 $0x1FFF, v1  }
0x2c: {  	vm0 =	vgt.s32 v1, v3;
	v1 =	vld [tilespmem:s2+$0xFA28];
	v4 =	vadd.s32 $0xF4240, v4  }
0x2d: {  	v3 =	vld [tilespmem:s2+$0xFE28];
	v4 =	vsel vm0, v2, v4  }
0x2e: {  	s31 =	sadd.s32 $0x40, s31;
	v2 =	vld [tilespmem:s2+$0xF628];
	[tilespmem:s30+$0x10228] =	vst v4;
	s30 =	smov.u32 s2  }
0x2f: {  	_ =	sdelay $0x1  }
0x30: {  	v4 =	vand.u32 $0x1FFF, v1  }
0x31: {  	vm0 =	vgt.s32 v1, v3;
	v1 =	vadd.s32 $0xF4240, v4  }
0x32: {  	v1 =	vsel vm0, v2, v1  }
0x33: {  	[tilespmem:s30+$0x10228] =	vst v1  }
0x34: {  	[spmem:s3] =	stream.indirect.scatter [tilespmem:s15], [sflag:$0x5], $0x1, s18, s14, $0xb8;
	[tilespmem:$0x18A28] =	vst v63  }
0x35: {  	_ =	swait.ge [sflag:s16], $0x400  }
0x36: {  	[sflag:s16] =	ssyncset.done $0x0  }
0x37: {  	[sflag:s16] =	ssyncadd.s32 $0xFFFFFC00  }
0x38: {  	[bflag:$0x0] =	sbarrier.arrive $0xFFFF  }
0x39: {  	[tilespmem:s17], [sflag:$0x5] =	stream.indirect.gather [spmem:s3], $0x1, s11, s14, $0xb8;
	[tilespmem:$0x18A28] =	vst v63  }
0x3a: {  	_ =	swait.ge [sflag:s16], $0x400  }
0x3b: {  	[sflag:s16] =	ssyncset.done $0x0  }
0x3c: {  	s30 =	simm.s32 $0x0;
	[sflag:s16] =	ssyncadd.s32 $0xFFFFFC00  }
0x3d: {  	v1 =	vld [tilespmem:s30+$0xFA28]  }
0x3e: {  	v3 =	vld [tilespmem:s30+$0xFE28]  }
0x3f: {  	s31 =	simm.s32 $0x40;
	v2 =	vld [tilespmem:s30+$0xF628]  }
.LBB2_6:
0x40: {  	p0 =	sne.s32 s31, $0xFC0  }
.Ltmp2:
0x41: {  	_ = 	snop;
	(pc) =	sbr.rel @p0 .LBB2_6-.Ltmp2, $4  }
0x42: {  	s2 =	sshra.s32 s31, $0x2;
	v4 =	vand.u32 $0x1FFF, v1  }
0x43: {  	vm0 =	vgt.s32 v1, v3;
	v1 =	vld [tilespmem:s2+$0xFA28];
	v4 =	vadd.s32 $0xF4240, v4  }
0x44: {  	v3 =	vld [tilespmem:s2+$0xFE28];
	v4 =	vsel vm0, v2, v4  }
0x45: {  	s31 =	sadd.s32 $0x40, s31;
	v2 =	vld [tilespmem:s2+$0xF628];
	[tilespmem:s30+$0x10228] =	vst v4;
	s30 =	smov.u32 s2  }
0x46: {  	_ =	sdelay $0x1  }
0x47: {  	v4 =	vand.u32 $0x1FFF, v1  }
0x48: {  	vm0 =	vgt.s32 v1, v3;
	v1 =	vadd.s32 $0xF4240, v4  }
0x49: {  	v1 =	vsel vm0, v2, v1  }
0x4a: {  	[tilespmem:s30+$0x10228] =	vst v1  }
0x4b: {  	[spmem:s3] =	stream.indirect.scatter [tilespmem:s15], [sflag:$0x5], $0x1, s18, s14, $0xb8;
	[tilespmem:$0x18A28] =	vst v63  }
0x4c: {  	_ =	swait.ge [sflag:s16], $0x400  }
0x4d: {  	[sflag:s16] =	ssyncset.done $0x0  }
0x4e: {  	[sflag:s16] =	ssyncadd.s32 $0xFFFFFC00  }
0x4f: {  	[bflag:$0x0] =	sbarrier.arrive $0xFFFF  }
0x50: {  	[tilespmem:s17], [sflag:$0x5] =	stream.indirect.gather [spmem:s3], $0x1, s11, s14, $0xb8;
	[tilespmem:$0x18A28] =	vst v63  }
0x51: {  	_ =	swait.ge [sflag:s16], $0x400  }
0x52: {  	[sflag:s16] =	ssyncset.done $0x0  }
0x53: {  	s30 =	simm.s32 $0x0;
	[sflag:s16] =	ssyncadd.s32 $0xFFFFFC00  }
0x54: {  	v1 =	vld [tilespmem:s30+$0xFA28]  }
0x55: {  	v3 =	vld [tilespmem:s30+$0xFE28]  }
0x56: {  	s31 =	simm.s32 $0x40;
	v2 =	vld [tilespmem:s30+$0xF628]  }
.LBB2_8:
0x57: {  	p0 =	sne.s32 s31, $0xFC0  }
.Ltmp3:
0x58: {  	_ = 	snop;
	(pc) =	sbr.rel @p0 .LBB2_8-.Ltmp3, $4  }
0x59: {  	s2 =	sshra.s32 s31, $0x2;
	v4 =	vand.u32 $0x1FFF, v1  }
0x5a: {  	vm0 =	vgt.s32 v1, v3;
	v1 =	vld [tilespmem:s2+$0xFA28];
	v4 =	vadd.s32 $0xF4240, v4  }
0x5b: {  	v3 =	vld [tilespmem:s2+$0xFE28];
	v4 =	vsel vm0, v2, v4  }
0x5c: {  	s31 =	sadd.s32 $0x40, s31;
	v2 =	vld [tilespmem:s2+$0xF628];
	[tilespmem:s30+$0x10228] =	vst v4;
	s30 =	smov.u32 s2  }
0x5d: {  	_ =	sdelay $0x1  }
0x5e: {  	v4 =	vand.u32 $0x1FFF, v1  }
0x5f: {  	vm0 =	vgt.s32 v1, v3;
	v1 =	vadd.s32 $0xF4240, v4  }
0x60: {  	v1 =	vsel vm0, v2, v1  }
0x61: {  	[tilespmem:s30+$0x10228] =	vst v1  }
0x62: {  	[spmem:s3] =	stream.indirect.scatter [tilespmem:s15], [sflag:$0x5], $0x1, s18, s14, $0xb8;
	[tilespmem:$0x18A28] =	vst v63  }
0x63: {  	_ =	swait.ge [sflag:s16], $0x400  }
0x64: {  	[sflag:s16] =	ssyncset.done $0x0  }
0x65: {  	[sflag:s16] =	ssyncadd.s32 $0xFFFFFC00  }
0x66: {  	[bflag:$0x0] =	sbarrier.arrive $0xFFFF  }
0x67: {  	_ =	swait.ge [sflag:s19], $0x200  }
0x68: {  	[sflag:s19] =	ssyncset.done $0x0  }
0x69: {  	[sflag:s19] =	ssyncadd.s32 $0xFFFFFE00  }
0x6a: {  	[tilespmem:s21], [sflag:$0x5] =	stream.indirect.gather [spmem:s3], $0x1, s12, s20, $0xb8;
	[tilespmem:$0x18A28] =	vst v63  }
0x6b: {  	_ =	swait.ge [sflag:s16], $0x200  }
0x6c: {  	[sflag:s16] =	ssyncset.done $0x0  }
0x6d: {  	[sflag:s16] =	ssyncadd.s32 $0xFFFFFE00  }
0x6e: {  	[tilespmem:s23], [sflag:$0x3] =	stream.indirect.gather [hbm4b:s1+s22], $0x40, s21, s22, $0xb8;
	[tilespmem:$0x18A28] =	vst v63  }
0x6f: {  	_ = 	snop  }
0x70: {  	[tilespmem:s25], [sflag:$0x4] =	stream.indirect.gather [hbm4b:s1+s22], $0x40, s24, s22, $0xb8;
	[tilespmem:$0x18A28] =	vst v63  }
0x71: {  	_ =	swait.ge [sflag:s26], $0x4000  }
0x72: {  	[sflag:s26] =	ssyncset.done $0x0  }
0x73: {  	[sflag:s26] =	ssyncadd.s32 $0xFFFFC000  }
0x74: {  	[hbm4b:s8+s5] =	stream.linear.scatter [tilespmem:s23], [sflag:$0x5], $0x4000, $0x38;
	[tilespmem:$0x18A28] =	vst v63  }
0x75: {  	_ =	swait.ge [sflag:s16], $0x4000  }
0x76: {  	[sflag:s16] =	ssyncset.done $0x0  }
0x77: {  	[sflag:s16] =	ssyncadd.s32 $0xFFFFC000  }
0x78: {  	s29 =	sadd.s32 $0x1, s29;
	_ =	swait.ge [sflag:s28], $0x4000  }
0x79: {  	p0 =	sne.s32 s29, s10;
	[sflag:s28] =	ssyncset.done $0x0  }
.Ltmp4:
0x7a: {  	[sflag:s28] =	ssyncadd.s32 $0xFFFFC000;
	(pc) =	sbr.rel @p0 .LBB2_1-.Ltmp4, $4  }
0x7b: {  	[hbm4b:s9+s5] =	stream.linear.scatter [tilespmem:s25], [sflag:$0x5], $0x4000, $0x38;
	[tilespmem:$0x18A28] =	vst v63  }
0x7c: {  	_ =	swait.ge [sflag:s16], $0x4000  }
0x7d: {  	[sflag:s16] =	ssyncset.done $0x0  }
0x7e: {  	[sflag:s16] =	ssyncadd.s32 $0xFFFFC000  }
0x7f: {  	_ =	sfence.sel $0x180000  }
0x80: {  	[bflag:$0x0] =	sbarrier.arrive $0xFFFF  }
0x81: {  	_ =	strace $0x90000047  }
0x82: {  	[bflag:$0x2] =	sbarrier.arrive $0xFFFF  }
0x83: {  	p0 =	sne.s32 s0, $0x0;
	s0 =	rddreg [dreg:$0x4]  }
0x84: {  	s0 =	sadd.s32 @!p0 $0x100000, s0  }
0x85: {  	[sflag:s0] =	ssyncadd.tile.s32 @!p0 $0x1;
	_ =	shalt  }
.Lfunc_end2:
_tile_overlayer_lowered:
.L_overlay_start_2:
0x86: {  	(tag) =	ssettag $0x2  }
0x87: {  	s0 =	rddreg [dreg:$0x0];
	s2 =	stileid.u32  }
0x88: {  	s1 =	rddreg [dreg:$0x1];
	p0 =	sne.s32 s2, $0x0  }
0x89: {  	s3 =	rddreg [dreg:$0x2];
	[bflag:$0x3] =	sbarrier.arrive $0xFFFF;
	s2 =	simm.s32 @!p0 $0x1C05  }
0x8a: {  	[timem:s3], [sflag:s2] =	dma.local @!p0 [hbm:s0], s1  }
0x8b: {  	s0 =	simm.s32 @!p0 $0x5  }
0x8c: {  	_ =	swait.ge @!p0 [sflag:s0], s1  }
0x8d: {  	s1 =	ssub.s32 @!p0 $0x0, s1;
	[sflag:s0] =	ssyncset.done @!p0 $0x0  }
0x8e: {  	[sflag:s0] =	ssyncadd.s32 @!p0 s1  }
0x8f: {  	[bflag:$0x3] =	sbarrier.arrive $0xFFFF  }
0x90: {  	_ =	shalt  }

</sc_bundles>
